<compile_context>
chip_gen: v7x
topology: tpu7x:2x2x1
jax: 0.10.2.dev20260603
libtpu: 0.0.44.dev20260713+nightly
codegen_flags: <defaults>
</compile_context>

<pallas_src>
import functools

import jax
import jax.numpy as jnp
from jax import lax
from jax.experimental import pallas as pl
from jax.experimental.pallas import tpu as pltpu
from jax.experimental.pallas import tpu_sc as plsc

_VOCAB = 100000
_D = 128
_DD = 2 * _D
_B = 4096
_L = 50
_BL = _B * _L

_info = plsc.get_sparse_core_info()
_NC, _NS = _info.num_cores, _info.num_subcores
_NW = _NC * _NS
_PER_W = _BL // _NW
_C = 128
_N_CH = _PER_W // _C

_mesh = plsc.VectorSubcoreMesh(core_axis_name="c", subcore_axis_name="s")


@functools.partial(
    pl.kernel,
    out_type=(
        jax.ShapeDtypeStruct((_BL, _D), jnp.float32),
        jax.ShapeDtypeStruct((_BL, _D), jnp.float32),
    ),
    mesh=_mesh,
    scratch_types=[
        pltpu.VMEM((_C,), jnp.int32),
        pltpu.VMEM((_C,), jnp.int32),
        pltpu.VMEM((_C, _D), jnp.float32),
        pltpu.VMEM((_C, _D), jnp.float32),
        pltpu.VMEM((_C, _D), jnp.float32),
        pltpu.VMEM((_C, _D), jnp.float32),
        pltpu.SemaphoreType.DMA,
        pltpu.SemaphoreType.DMA,
        pltpu.SemaphoreType.DMA,
        pltpu.SemaphoreType.DMA,
    ],
)
def _sc_gather(embt, glovet, ids, outE, outG,
               idx0, idx1, rE0, rE1, rG0, rG1, semE0, semE1, semG0, semG1):
    wid = lax.axis_index("s") * _NC + lax.axis_index("c")
    base = wid * _PER_W

    idx = (idx0, idx1)
    rE = (rE0, rE1)
    rG = (rG0, rG1)
    semE = (semE0, semE1)
    semG = (semG0, semG1)

    def start(buf, c):
        pltpu.sync_copy(ids.at[pl.ds(base + c * _C, _C)], idx[buf])
        pltpu.async_copy(embt.at[idx[buf]], rE[buf], semE[buf])
        pltpu.async_copy(glovet.at[idx[buf]], rG[buf], semG[buf])

    def drain(buf, c):
        pltpu.make_async_copy(embt.at[idx[buf]], rE[buf], semE[buf]).wait()
        pltpu.make_async_copy(glovet.at[idx[buf]], rG[buf], semG[buf]).wait()
        pltpu.sync_copy(rE[buf], outE.at[pl.ds(base + c * _C, _C)])
        pltpu.sync_copy(rG[buf], outG.at[pl.ds(base + c * _C, _C)])

    start(0, 0)

    def pair(g, carry):
        c = 2 * g
        start(1, c + 1)
        drain(0, c)

        @pl.when(c + 2 < _N_CH)
        def _():
            start(0, c + 2)

        drain(1, c + 1)
        return carry

    lax.fori_loop(0, _N_CH // 2, pair, 0)


_RB = 64


def _assemble_body(e_ref, g_ref, out_ref):
    out_ref[:, :, :_D] = jnp.tanh(e_ref[:]).reshape(_RB, _L, _D)
    out_ref[:, :, _D:] = g_ref[:].reshape(_RB, _L, _D)


def _assemble(linE, linG):
    return pl.pallas_call(
        _assemble_body,
        grid=(_B // _RB,),
        in_specs=[
            pl.BlockSpec((_RB * _L, _D), lambda i: (i, 0)),
            pl.BlockSpec((_RB * _L, _D), lambda i: (i, 0)),
        ],
        out_specs=pl.BlockSpec((_RB, _L, _DD), lambda i: (i, 0, 0)),
        out_shape=jax.ShapeDtypeStruct((_B, _L, _DD), jnp.float32),
    )(linE, linG)


def kernel(input_ids, emb_table, glove_table):
    ids = input_ids.reshape(-1).astype(jnp.int32)
    outE, outG = _sc_gather(emb_table, glove_table, ids)
    return _assemble(outE, outG)

# --- scband reference (transcript-rebuilt; emitter-appended) ---
"""Pipeline reference for scband-glove-embedder-32409823215921 (READ-ONLY COPY).

The authoritative reference and input builder live on the scoring server;
editing this copy changes nothing except your own understanding.
"""

import jax, jax.numpy as jnp
import numpy as np

VOCAB = 100000
EMBD_DIM = 128
B = 4096
L = 50

def setup_inputs(seed: int = 0) -> dict:
    key = jax.random.key(seed)
    k1, k2, k3 = jax.random.split(key, 3)
    input_ids = jax.random.randint(k1, (B, L), 0, VOCAB, dtype=jnp.int64 if jax.config.jax_enable_x64 else jnp.int32)
    emb_table = jax.random.normal(k2, (VOCAB, EMBD_DIM), dtype=jnp.float32) * 0.02
    glove_table = jax.random.normal(k3, (VOCAB, EMBD_DIM), dtype=jnp.float32) * 0.02
    # padding_idx=0: zero out row 0 of both tables
    emb_table = emb_table.at[0].set(0.0)
    glove_table = glove_table.at[0].set(0.0)
    return {"input_ids": input_ids, "emb_table": emb_table, "glove_table": glove_table}

def reference(input_ids, emb_table, glove_table):
    embds = jnp.tanh(jnp.take(emb_table, input_ids, axis=0))
    gloves = jnp.take(glove_table, input_ids, axis=0)
    inpt = jnp.concatenate((embds, gloves), axis=2)
    return inpt

if __name__ == "__main__":
    import jax
    _d = setup_inputs()
    print(jax.jit(kernel)(*tuple(_d.values())))

</pallas_src>

<mosaic_0001>
#map = affine_map<(d0, d1) -> (0, 0)>
#map1 = affine_map<(d0, d1) -> (0)>
module attributes {stable_mosaic.version = 14 : i64} {
  func.func @_sc_gather(%arg0: i32, %arg1: i32, %arg2: memref<100000x128xf32, #tpu.memory_space<hbm>>, %arg3: memref<100000x128xf32, #tpu.memory_space<hbm>>, %arg4: memref<204800xi32, #tpu.memory_space<hbm>>, %arg5: memref<204800x128xf32, #tpu.memory_space<hbm>>, %arg6: memref<204800x128xf32, #tpu.memory_space<hbm>>, %arg7: memref<128xi32, #tpu.memory_space<vmem>>, %arg8: memref<128xi32, #tpu.memory_space<vmem>>, %arg9: memref<128x128xf32, #tpu.memory_space<vmem>>, %arg10: memref<128x128xf32, #tpu.memory_space<vmem>>, %arg11: memref<128x128xf32, #tpu.memory_space<vmem>>, %arg12: memref<128x128xf32, #tpu.memory_space<vmem>>, %arg13: memref<!tpu.dma_semaphore, #tpu.memory_space<semaphore_mem>>, %arg14: memref<!tpu.dma_semaphore, #tpu.memory_space<semaphore_mem>>, %arg15: memref<!tpu.dma_semaphore, #tpu.memory_space<semaphore_mem>>, %arg16: memref<!tpu.dma_semaphore, #tpu.memory_space<semaphore_mem>>) attributes {dimension_semantics = [#tpu.dimension_semantics<core_parallel>, #tpu.dimension_semantics<subcore_parallel>], iteration_bounds = array<i64: 2, 16>, scalar_prefetch = 0 : i64, scratch_operands = 10 : i64, tpu.core_type = #tpu.core_type<sc_vector_subcore>, window_params = [{transform_indices = #map}, {transform_indices = #map}, {transform_indices = #map1}, {transform_indices = #map}, {transform_indices = #map}]} {
    %mul3A = arith.constant 2 : i32
    %mul3A_0 = arith.muli %arg1, %mul3A : i32
    %add3A = arith.addi %mul3A_0, %arg0 : i32
    %mul3A_1 = arith.constant 6400 : i32
    %mul3A_2 = arith.muli %add3A, %mul3A_1 : i32
    %add3A_3 = arith.constant 0 : i32
    %add3A_4 = arith.addi %mul3A_2, %add3A_3 : i32
    "tpu.region"() ({
      %run_scoped3A = tpu.sem_alloc : memref<!tpu.dma_semaphore, #tpu.memory_space<semaphore_mem>>
      %dma_start3A_15 = tpu.memref_slice %arg4[%add3A_4] : memref<204800xi32, #tpu.memory_space<hbm>> -> memref<128xi32, #tpu.memory_space<hbm>>
      %dma_start3A_16 = tpu.memref_slice %arg4[%add3A_4] : memref<204800xi32, #tpu.memory_space<hbm>> -> memref<128xi32, #tpu.memory_space<hbm>>
      tpu.enqueue_dma source(%dma_start3A_16 : memref<128xi32, #tpu.memory_space<hbm>>) target(%arg7 : memref<128xi32, #tpu.memory_space<vmem>>) target_semaphore(%run_scoped3A : memref<!tpu.dma_semaphore, #tpu.memory_space<semaphore_mem>>)
      %dma_wait3A = tpu.memref_slice %arg4[%add3A_4] : memref<204800xi32, #tpu.memory_space<hbm>> -> memref<128xi32, #tpu.memory_space<hbm>>
      %dma_wait3A_17 = tpu.memref_slice %arg4[%add3A_4] : memref<204800xi32, #tpu.memory_space<hbm>> -> memref<128xi32, #tpu.memory_space<hbm>>
      tpu.wait_dma2 semaphore(%run_scoped3A : memref<!tpu.dma_semaphore, #tpu.memory_space<semaphore_mem>>) src(%dma_wait3A_17 : memref<128xi32, #tpu.memory_space<hbm>>) dst(%arg7 : memref<128xi32, #tpu.memory_space<vmem>>)
      tpu.yield
    }) : () -> ()
    %dma_start3A = arith.constant 0 : i32
    %dma_start3A_5 = arith.constant 0 : i32
    %dma_start3A_6 = tpu.memref_slice %arg2[%dma_start3A, %dma_start3A_5] : memref<100000x128xf32, #tpu.memory_space<hbm>> -> memref<100000x128xf32, #tpu.memory_space<hbm>>
    tpu.enqueue_indirect_dma source(%dma_start3A_6 : memref<100000x128xf32, #tpu.memory_space<hbm>>) target(%arg9 : memref<128x128xf32, #tpu.memory_space<vmem>>) offsets(%arg7 : memref<128xi32, #tpu.memory_space<vmem>>) semaphore(%arg13 : memref<!tpu.dma_semaphore, #tpu.memory_space<semaphore_mem>>)
    %dma_start3A_7 = arith.constant 0 : i32
    %dma_start3A_8 = arith.constant 0 : i32
    %dma_start3A_9 = tpu.memref_slice %arg3[%dma_start3A_7, %dma_start3A_8] : memref<100000x128xf32, #tpu.memory_space<hbm>> -> memref<100000x128xf32, #tpu.memory_space<hbm>>
    tpu.enqueue_indirect_dma source(%dma_start3A_9 : memref<100000x128xf32, #tpu.memory_space<hbm>>) target(%arg11 : memref<128x128xf32, #tpu.memory_space<vmem>>) offsets(%arg7 : memref<128xi32, #tpu.memory_space<vmem>>) semaphore(%arg15 : memref<!tpu.dma_semaphore, #tpu.memory_space<semaphore_mem>>)
    %scan3A = arith.constant 0 : i32
    %scan3A_10 = arith.constant 0 : i32
    %scan3A_11 = arith.constant 25 : i32
    %scan3A_12 = arith.addi %scan3A_10, %scan3A_11 : i32
    %scan3A_13 = arith.constant 1 : i32
    scf.for %scan3A_15 = %scan3A_10 to %scan3A_12 step %scan3A_13  : i32 {
      %mul3A_16 = arith.constant 2 : i32
      %mul3A_17 = arith.muli %mul3A_16, %scan3A_15 : i32
      %add3A_18 = arith.constant 1 : i32
      %add3A_19 = arith.addi %mul3A_17, %add3A_18 : i32
      %mul3A_20 = arith.constant 128 : i32
      %mul3A_21 = arith.muli %add3A_19, %mul3A_20 : i32
      %add3A_22 = arith.addi %mul3A_2, %mul3A_21 : i32
      "tpu.region"() ({
        %run_scoped3A = tpu.sem_alloc : memref<!tpu.dma_semaphore, #tpu.memory_space<semaphore_mem>>
        %dma_start3A_58 = tpu.memref_slice %arg4[%add3A_22] : memref<204800xi32, #tpu.memory_space<hbm>> -> memref<128xi32, #tpu.memory_space<hbm>>
        %dma_start3A_59 = tpu.memref_slice %arg4[%add3A_22] : memref<204800xi32, #tpu.memory_space<hbm>> -> memref<128xi32, #tpu.memory_space<hbm>>
        tpu.enqueue_dma source(%dma_start3A_59 : memref<128xi32, #tpu.memory_space<hbm>>) target(%arg8 : memref<128xi32, #tpu.memory_space<vmem>>) target_semaphore(%run_scoped3A : memref<!tpu.dma_semaphore, #tpu.memory_space<semaphore_mem>>)
        %dma_wait3A_60 = tpu.memref_slice %arg4[%add3A_22] : memref<204800xi32, #tpu.memory_space<hbm>> -> memref<128xi32, #tpu.memory_space<hbm>>
        %dma_wait3A_61 = tpu.memref_slice %arg4[%add3A_22] : memref<204800xi32, #tpu.memory_space<hbm>> -> memref<128xi32, #tpu.memory_space<hbm>>
        tpu.wait_dma2 semaphore(%run_scoped3A : memref<!tpu.dma_semaphore, #tpu.memory_space<semaphore_mem>>) src(%dma_wait3A_61 : memref<128xi32, #tpu.memory_space<hbm>>) dst(%arg8 : memref<128xi32, #tpu.memory_space<vmem>>)
        tpu.yield
      }) : () -> ()
      %dma_start3A_23 = arith.constant 0 : i32
      %dma_start3A_24 = arith.constant 0 : i32
      %dma_start3A_25 = tpu.memref_slice %arg2[%dma_start3A_23, %dma_start3A_24] : memref<100000x128xf32, #tpu.memory_space<hbm>> -> memref<100000x128xf32, #tpu.memory_space<hbm>>
      tpu.enqueue_indirect_dma source(%dma_start3A_25 : memref<100000x128xf32, #tpu.memory_space<hbm>>) target(%arg10 : memref<128x128xf32, #tpu.memory_space<vmem>>) offsets(%arg8 : memref<128xi32, #tpu.memory_space<vmem>>) semaphore(%arg14 : memref<!tpu.dma_semaphore, #tpu.memory_space<semaphore_mem>>)
      %dma_start3A_26 = arith.constant 0 : i32
      %dma_start3A_27 = arith.constant 0 : i32
      %dma_start3A_28 = tpu.memref_slice %arg3[%dma_start3A_26, %dma_start3A_27] : memref<100000x128xf32, #tpu.memory_space<hbm>> -> memref<100000x128xf32, #tpu.memory_space<hbm>>
      tpu.enqueue_indirect_dma source(%dma_start3A_28 : memref<100000x128xf32, #tpu.memory_space<hbm>>) target(%arg12 : memref<128x128xf32, #tpu.memory_space<vmem>>) offsets(%arg8 : memref<128xi32, #tpu.memory_space<vmem>>) semaphore(%arg16 : memref<!tpu.dma_semaphore, #tpu.memory_space<semaphore_mem>>)
      %dma_wait3A = arith.constant 0 : i32
      %dma_wait3A_29 = arith.constant 0 : i32
      %dma_wait3A_30 = tpu.memref_slice %arg2[%dma_wait3A, %dma_wait3A_29] : memref<100000x128xf32, #tpu.memory_space<hbm>> -> memref<100000x128xf32, #tpu.memory_space<hbm>>
      tpu.wait_indirect_dma semaphore(%arg13 : memref<!tpu.dma_semaphore, #tpu.memory_space<semaphore_mem>>) src(%dma_wait3A_30 : memref<100000x128xf32, #tpu.memory_space<hbm>>) dst(%arg9 : memref<128x128xf32, #tpu.memory_space<vmem>>)
      %dma_wait3A_31 = arith.constant 0 : i32
      %dma_wait3A_32 = arith.constant 0 : i32
      %dma_wait3A_33 = tpu.memref_slice %arg3[%dma_wait3A_31, %dma_wait3A_32] : memref<100000x128xf32, #tpu.memory_space<hbm>> -> memref<100000x128xf32, #tpu.memory_space<hbm>>
      tpu.wait_indirect_dma semaphore(%arg15 : memref<!tpu.dma_semaphore, #tpu.memory_space<semaphore_mem>>) src(%dma_wait3A_33 : memref<100000x128xf32, #tpu.memory_space<hbm>>) dst(%arg11 : memref<128x128xf32, #tpu.memory_space<vmem>>)
      %mul3A_34 = arith.constant 128 : i32
      %mul3A_35 = arith.muli %mul3A_17, %mul3A_34 : i32
      %add3A_36 = arith.addi %mul3A_2, %mul3A_35 : i32
      "tpu.region"() ({
        %run_scoped3A = tpu.sem_alloc : memref<!tpu.dma_semaphore, #tpu.memory_space<semaphore_mem>>
        %dma_start3A_58 = arith.constant 0 : i32
        %dma_start3A_59 = tpu.memref_slice %arg5[%add3A_36, %dma_start3A_58] : memref<204800x128xf32, #tpu.memory_space<hbm>> -> memref<128x128xf32, #tpu.memory_space<hbm>>
        %dma_start3A_60 = arith.constant 0 : i32
        %dma_start3A_61 = tpu.memref_slice %arg5[%add3A_36, %dma_start3A_60] : memref<204800x128xf32, #tpu.memory_space<hbm>> -> memref<128x128xf32, #tpu.memory_space<hbm>>
        tpu.enqueue_dma source(%arg9 : memref<128x128xf32, #tpu.memory_space<vmem>>) target(%dma_start3A_61 : memref<128x128xf32, #tpu.memory_space<hbm>>) target_semaphore(%run_scoped3A : memref<!tpu.dma_semaphore, #tpu.memory_space<semaphore_mem>>)
        %dma_wait3A_62 = arith.constant 0 : i32
        %dma_wait3A_63 = tpu.memref_slice %arg5[%add3A_36, %dma_wait3A_62] : memref<204800x128xf32, #tpu.memory_space<hbm>> -> memref<128x128xf32, #tpu.memory_space<hbm>>
        %dma_wait3A_64 = arith.constant 0 : i32
        %dma_wait3A_65 = tpu.memref_slice %arg5[%add3A_36, %dma_wait3A_64] : memref<204800x128xf32, #tpu.memory_space<hbm>> -> memref<128x128xf32, #tpu.memory_space<hbm>>
        tpu.wait_dma2 semaphore(%run_scoped3A : memref<!tpu.dma_semaphore, #tpu.memory_space<semaphore_mem>>) src(%arg9 : memref<128x128xf32, #tpu.memory_space<vmem>>) dst(%dma_wait3A_65 : memref<128x128xf32, #tpu.memory_space<hbm>>)
        tpu.yield
      }) : () -> ()
      %mul3A_37 = arith.constant 128 : i32
      %mul3A_38 = arith.muli %mul3A_17, %mul3A_37 : i32
      %add3A_39 = arith.addi %mul3A_2, %mul3A_38 : i32
      "tpu.region"() ({
        %run_scoped3A = tpu.sem_alloc : memref<!tpu.dma_semaphore, #tpu.memory_space<semaphore_mem>>
        %dma_start3A_58 = arith.constant 0 : i32
        %dma_start3A_59 = tpu.memref_slice %arg6[%add3A_39, %dma_start3A_58] : memref<204800x128xf32, #tpu.memory_space<hbm>> -> memref<128x128xf32, #tpu.memory_space<hbm>>
        %dma_start3A_60 = arith.constant 0 : i32
        %dma_start3A_61 = tpu.memref_slice %arg6[%add3A_39, %dma_start3A_60] : memref<204800x128xf32, #tpu.memory_space<hbm>> -> memref<128x128xf32, #tpu.memory_space<hbm>>
        tpu.enqueue_dma source(%arg11 : memref<128x128xf32, #tpu.memory_space<vmem>>) target(%dma_start3A_61 : memref<128x128xf32, #tpu.memory_space<hbm>>) target_semaphore(%run_scoped3A : memref<!tpu.dma_semaphore, #tpu.memory_space<semaphore_mem>>)
        %dma_wait3A_62 = arith.constant 0 : i32
        %dma_wait3A_63 = tpu.memref_slice %arg6[%add3A_39, %dma_wait3A_62] : memref<204800x128xf32, #tpu.memory_space<hbm>> -> memref<128x128xf32, #tpu.memory_space<hbm>>
        %dma_wait3A_64 = arith.constant 0 : i32
        %dma_wait3A_65 = tpu.memref_slice %arg6[%add3A_39, %dma_wait3A_64] : memref<204800x128xf32, #tpu.memory_space<hbm>> -> memref<128x128xf32, #tpu.memory_space<hbm>>
        tpu.wait_dma2 semaphore(%run_scoped3A : memref<!tpu.dma_semaphore, #tpu.memory_space<semaphore_mem>>) src(%arg11 : memref<128x128xf32, #tpu.memory_space<vmem>>) dst(%dma_wait3A_65 : memref<128x128xf32, #tpu.memory_space<hbm>>)
        tpu.yield
      }) : () -> ()
      %add3A_40 = arith.constant 2 : i32
      %add3A_41 = arith.addi %mul3A_17, %add3A_40 : i32
      %lt3A = arith.constant 50 : i32
      %lt3A_42 = arith.cmpi slt, %add3A_41, %lt3A : i32
      %convert_element_type3A = arith.extui %lt3A_42 : i1 to i32
      %cond3A = arith.constant 0 : i32
      %cond3A_43 = arith.cmpi ne, %convert_element_type3A, %cond3A : i32
      scf.if %cond3A_43 {
        %add3A_58 = arith.constant 2 : i32
        %add3A_59 = arith.addi %mul3A_17, %add3A_58 : i32
        %mul3A_60 = arith.constant 128 : i32
        %mul3A_61 = arith.muli %add3A_59, %mul3A_60 : i32
        %add3A_62 = arith.addi %mul3A_2, %mul3A_61 : i32
        "tpu.region"() ({
          %run_scoped3A = tpu.sem_alloc : memref<!tpu.dma_semaphore, #tpu.memory_space<semaphore_mem>>
          %dma_start3A_69 = tpu.memref_slice %arg4[%add3A_62] : memref<204800xi32, #tpu.memory_space<hbm>> -> memref<128xi32, #tpu.memory_space<hbm>>
          %dma_start3A_70 = tpu.memref_slice %arg4[%add3A_62] : memref<204800xi32, #tpu.memory_space<hbm>> -> memref<128xi32, #tpu.memory_space<hbm>>
          tpu.enqueue_dma source(%dma_start3A_70 : memref<128xi32, #tpu.memory_space<hbm>>) target(%arg7 : memref<128xi32, #tpu.memory_space<vmem>>) target_semaphore(%run_scoped3A : memref<!tpu.dma_semaphore, #tpu.memory_space<semaphore_mem>>)
          %dma_wait3A_71 = tpu.memref_slice %arg4[%add3A_62] : memref<204800xi32, #tpu.memory_space<hbm>> -> memref<128xi32, #tpu.memory_space<hbm>>
          %dma_wait3A_72 = tpu.memref_slice %arg4[%add3A_62] : memref<204800xi32, #tpu.memory_space<hbm>> -> memref<128xi32, #tpu.memory_space<hbm>>
          tpu.wait_dma2 semaphore(%run_scoped3A : memref<!tpu.dma_semaphore, #tpu.memory_space<semaphore_mem>>) src(%dma_wait3A_72 : memref<128xi32, #tpu.memory_space<hbm>>) dst(%arg7 : memref<128xi32, #tpu.memory_space<vmem>>)
          tpu.yield
        }) : () -> ()
        %dma_start3A_63 = arith.constant 0 : i32
        %dma_start3A_64 = arith.constant 0 : i32
        %dma_start3A_65 = tpu.memref_slice %arg2[%dma_start3A_63, %dma_start3A_64] : memref<100000x128xf32, #tpu.memory_space<hbm>> -> memref<100000x128xf32, #tpu.memory_space<hbm>>
        tpu.enqueue_indirect_dma source(%dma_start3A_65 : memref<100000x128xf32, #tpu.memory_space<hbm>>) target(%arg9 : memref<128x128xf32, #tpu.memory_space<vmem>>) offsets(%arg7 : memref<128xi32, #tpu.memory_space<vmem>>) semaphore(%arg13 : memref<!tpu.dma_semaphore, #tpu.memory_space<semaphore_mem>>)
        %dma_start3A_66 = arith.constant 0 : i32
        %dma_start3A_67 = arith.constant 0 : i32
        %dma_start3A_68 = tpu.memref_slice %arg3[%dma_start3A_66, %dma_start3A_67] : memref<100000x128xf32, #tpu.memory_space<hbm>> -> memref<100000x128xf32, #tpu.memory_space<hbm>>
        tpu.enqueue_indirect_dma source(%dma_start3A_68 : memref<100000x128xf32, #tpu.memory_space<hbm>>) target(%arg11 : memref<128x128xf32, #tpu.memory_space<vmem>>) offsets(%arg7 : memref<128xi32, #tpu.memory_space<vmem>>) semaphore(%arg15 : memref<!tpu.dma_semaphore, #tpu.memory_space<semaphore_mem>>)
      } else {
      }
      %add3A_44 = arith.constant 1 : i32
      %add3A_45 = arith.addi %mul3A_17, %add3A_44 : i32
      %dma_wait3A_46 = arith.constant 0 : i32
      %dma_wait3A_47 = arith.constant 0 : i32
      %dma_wait3A_48 = tpu.memref_slice %arg2[%dma_wait3A_46, %dma_wait3A_47] : memref<100000x128xf32, #tpu.memory_space<hbm>> -> memref<100000x128xf32, #tpu.memory_space<hbm>>
      tpu.wait_indirect_dma semaphore(%arg14 : memref<!tpu.dma_semaphore, #tpu.memory_space<semaphore_mem>>) src(%dma_wait3A_48 : memref<100000x128xf32, #tpu.memory_space<hbm>>) dst(%arg10 : memref<128x128xf32, #tpu.memory_space<vmem>>)
      %dma_wait3A_49 = arith.constant 0 : i32
      %dma_wait3A_50 = arith.constant 0 : i32
      %dma_wait3A_51 = tpu.memref_slice %arg3[%dma_wait3A_49, %dma_wait3A_50] : memref<100000x128xf32, #tpu.memory_space<hbm>> -> memref<100000x128xf32, #tpu.memory_space<hbm>>
      tpu.wait_indirect_dma semaphore(%arg16 : memref<!tpu.dma_semaphore, #tpu.memory_space<semaphore_mem>>) src(%dma_wait3A_51 : memref<100000x128xf32, #tpu.memory_space<hbm>>) dst(%arg12 : memref<128x128xf32, #tpu.memory_space<vmem>>)
      %mul3A_52 = arith.constant 128 : i32
      %mul3A_53 = arith.muli %add3A_45, %mul3A_52 : i32
      %add3A_54 = arith.addi %mul3A_2, %mul3A_53 : i32
      "tpu.region"() ({
        %run_scoped3A = tpu.sem_alloc : memref<!tpu.dma_semaphore, #tpu.memory_space<semaphore_mem>>
        %dma_start3A_58 = arith.constant 0 : i32
        %dma_start3A_59 = tpu.memref_slice %arg5[%add3A_54, %dma_start3A_58] : memref<204800x128xf32, #tpu.memory_space<hbm>> -> memref<128x128xf32, #tpu.memory_space<hbm>>
        %dma_start3A_60 = arith.constant 0 : i32
        %dma_start3A_61 = tpu.memref_slice %arg5[%add3A_54, %dma_start3A_60] : memref<204800x128xf32, #tpu.memory_space<hbm>> -> memref<128x128xf32, #tpu.memory_space<hbm>>
        tpu.enqueue_dma source(%arg10 : memref<128x128xf32, #tpu.memory_space<vmem>>) target(%dma_start3A_61 : memref<128x128xf32, #tpu.memory_space<hbm>>) target_semaphore(%run_scoped3A : memref<!tpu.dma_semaphore, #tpu.memory_space<semaphore_mem>>)
        %dma_wait3A_62 = arith.constant 0 : i32
        %dma_wait3A_63 = tpu.memref_slice %arg5[%add3A_54, %dma_wait3A_62] : memref<204800x128xf32, #tpu.memory_space<hbm>> -> memref<128x128xf32, #tpu.memory_space<hbm>>
        %dma_wait3A_64 = arith.constant 0 : i32
        %dma_wait3A_65 = tpu.memref_slice %arg5[%add3A_54, %dma_wait3A_64] : memref<204800x128xf32, #tpu.memory_space<hbm>> -> memref<128x128xf32, #tpu.memory_space<hbm>>
        tpu.wait_dma2 semaphore(%run_scoped3A : memref<!tpu.dma_semaphore, #tpu.memory_space<semaphore_mem>>) src(%arg10 : memref<128x128xf32, #tpu.memory_space<vmem>>) dst(%dma_wait3A_65 : memref<128x128xf32, #tpu.memory_space<hbm>>)
        tpu.yield
      }) : () -> ()
      %mul3A_55 = arith.constant 128 : i32
      %mul3A_56 = arith.muli %add3A_45, %mul3A_55 : i32
      %add3A_57 = arith.addi %mul3A_2, %mul3A_56 : i32
      "tpu.region"() ({
        %run_scoped3A = tpu.sem_alloc : memref<!tpu.dma_semaphore, #tpu.memory_space<semaphore_mem>>
        %dma_start3A_58 = arith.constant 0 : i32
        %dma_start3A_59 = tpu.memref_slice %arg6[%add3A_57, %dma_start3A_58] : memref<204800x128xf32, #tpu.memory_space<hbm>> -> memref<128x128xf32, #tpu.memory_space<hbm>>
        %dma_start3A_60 = arith.constant 0 : i32
        %dma_start3A_61 = tpu.memref_slice %arg6[%add3A_57, %dma_start3A_60] : memref<204800x128xf32, #tpu.memory_space<hbm>> -> memref<128x128xf32, #tpu.memory_space<hbm>>
        tpu.enqueue_dma source(%arg12 : memref<128x128xf32, #tpu.memory_space<vmem>>) target(%dma_start3A_61 : memref<128x128xf32, #tpu.memory_space<hbm>>) target_semaphore(%run_scoped3A : memref<!tpu.dma_semaphore, #tpu.memory_space<semaphore_mem>>)
        %dma_wait3A_62 = arith.constant 0 : i32
        %dma_wait3A_63 = tpu.memref_slice %arg6[%add3A_57, %dma_wait3A_62] : memref<204800x128xf32, #tpu.memory_space<hbm>> -> memref<128x128xf32, #tpu.memory_space<hbm>>
        %dma_wait3A_64 = arith.constant 0 : i32
        %dma_wait3A_65 = tpu.memref_slice %arg6[%add3A_57, %dma_wait3A_64] : memref<204800x128xf32, #tpu.memory_space<hbm>> -> memref<128x128xf32, #tpu.memory_space<hbm>>
        tpu.wait_dma2 semaphore(%run_scoped3A : memref<!tpu.dma_semaphore, #tpu.memory_space<semaphore_mem>>) src(%arg12 : memref<128x128xf32, #tpu.memory_space<vmem>>) dst(%dma_wait3A_65 : memref<128x128xf32, #tpu.memory_space<hbm>>)
        tpu.yield
      }) : () -> ()
    }
    %scan3A_14 = arith.constant 25 : i32
    return
  }
}

module attributes {stable_mosaic.version = 14 : i64} {
  func.func @_assemble_body(%arg0: i32, %arg1: memref<3200x128xf32, #tpu.memory_space<vmem>>, %arg2: memref<3200x128xf32, #tpu.memory_space<vmem>>, %arg3: memref<64x50x256xf32, #tpu.memory_space<vmem>>) attributes {dimension_semantics = [#tpu.dimension_semantics<arbitrary>], iteration_bounds = array<i64: 64>, scalar_prefetch = 0 : i64, scratch_operands = 0 : i64, tpu.core_type = #tpu.core_type<tc>, window_params = [{transform_indices = @transform_0, window_bounds = array<i64: 3200, 128>}, {transform_indices = @transform_1, window_bounds = array<i64: 3200, 128>}, {transform_indices = @transform_2, window_bounds = array<i64: 64, 50, 256>}]} {
    %get3A = arith.constant 0 : index
    %get3A_0 = arith.constant 0 : index
    %get3A_1 = vector.load %arg1[%get3A, %get3A_0] : memref<3200x128xf32, #tpu.memory_space<vmem>>, vector<3200x128xf32>
    %tanh3A = math.tanh %get3A_1 : vector<3200x128xf32>
    %reshape3A = vector.shape_cast %tanh3A : vector<3200x128xf32> to vector<64x50x128xf32>
    %swap3A = arith.constant 0 : index
    %swap3A_2 = arith.constant 0 : index
    %swap3A_3 = arith.constant 0 : index
    %swap3A_4 = vector.load %arg3[%swap3A, %swap3A_2, %swap3A_3] : memref<64x50x256xf32, #tpu.memory_space<vmem>>, vector<64x50x128xf32>
    tpu.vector_store %arg3[%swap3A, %swap3A_2, %swap3A_3], %reshape3A {strides = array<i32>} : memref<64x50x256xf32, #tpu.memory_space<vmem>>, vector<64x50x128xf32>,
    %get3A_5 = arith.constant 0 : index
    %get3A_6 = arith.constant 0 : index
    %get3A_7 = vector.load %arg2[%get3A_5, %get3A_6] : memref<3200x128xf32, #tpu.memory_space<vmem>>, vector<3200x128xf32>
    %reshape3A_8 = vector.shape_cast %get3A_7 : vector<3200x128xf32> to vector<64x50x128xf32>
    %swap3A_9 = arith.constant 0 : index
    %swap3A_10 = arith.constant 0 : index
    %swap3A_11 = arith.constant 128 : index
    %swap3A_12 = vector.load %arg3[%swap3A_9, %swap3A_10, %swap3A_11] : memref<64x50x256xf32, #tpu.memory_space<vmem>>, vector<64x50x128xf32>
    tpu.vector_store %arg3[%swap3A_9, %swap3A_10, %swap3A_11], %reshape3A_8 {strides = array<i32>} : memref<64x50x256xf32, #tpu.memory_space<vmem>>, vector<64x50x128xf32>,
    return
  }
  func.func @transform_0(%arg0: i32) -> (i32, i32) {
    %c0_i32 = arith.constant 0 : i32
    %c0_i32_0 = arith.constant 0 : i32
    return %arg0, %c0_i32 : i32, i32
  }
  func.func @transform_1(%arg0: i32) -> (i32, i32) {
    %c0_i32 = arith.constant 0 : i32
    %c0_i32_0 = arith.constant 0 : i32
    return %arg0, %c0_i32 : i32, i32
  }
  func.func @transform_2(%arg0: i32) -> (i32, i32, i32) {
    %c0_i32 = arith.constant 0 : i32
    %c0_i32_0 = arith.constant 0 : i32
    %c0_i32_1 = arith.constant 0 : i32
    return %arg0, %c0_i32, %c0_i32_0 : i32, i32, i32
  }
}

</mosaic_0001>

<sc_bundles>
// kernel: kernel.4.cloned.1.call-start
scs
__scs_entry_jumppad:
0x0: {  	(pc) =	sbr.rel $0x88, $3  }
0x1: {  	(tag) =	ssettag $0x0;
	lr =	simm.s32 $0x1  }
0x2: {  	[smem:$0x3F9E] =	sst lr;
	_ =	strace $0xD0000000  }
0x3: {  	_ = 	snop  }
0x4: {  	_ = 	snop  }
0x5: {  	_ = 	snop  }
0x6: {  	_ = 	snop  }
0x7: {  	_ = 	snop  }
__scs_overlays_trampoline_lowered:
0x8: {  	[smem:$0x3FAD] =	sst s0  }
0x9: {  	[smem:$0x3FAE] =	sst s1  }
0xa: {  	[smem:$0x3FAF] =	sst s2  }
0xb: {  	[smem:$0x3FB0] =	sst s3  }
0xc: {  	[smem:$0x3FB1] =	sst s4  }
0xd: {  	[smem:$0x3FB2] =	sst s5  }
0xe: {  	[smem:$0x3FB3] =	sst s6  }
0xf: {  	[smem:$0x3FB4] =	sst s7  }
0x10: {  	[smem:$0x3FB5] =	sst s8  }
0x11: {  	[smem:$0x3FB6] =	sst s9;
	s0 =	simm.s32 @!p0 $0x0  }
0x12: {  	s1 =	sld [smem:$0x3F9C];
	s0 =	simm.s32 @p0 $0x1  }
0x13: {  	[smem:$0x3FB7] =	sst s0;
	s0 =	simm.s32 @!p1 $0x0  }
0x14: {  	s2 =	sld [smem:$0x3F9B];
	s0 =	simm.s32 @p1 $0x1  }
0x15: {  	[smem:$0x3FB8] =	sst s0;
	s0 =	simm.s32 @!p2 $0x0  }
0x16: {  	s3 =	sld [smem:$0x3FDB];
	s0 =	simm.s32 @p2 $0x1  }
0x17: {  	s4 =	simm.s32 $0x1BF5;
	[smem:$0x3FBA] =	sst s0  }
0x18: {  	s0 =	sld [smem:$0x3F9D];
	_ =	swait.ge [sflag:s4], $0x0  }
0x19: {  	s7 =	sld [smem:$0x3F9E]  }
0x1a: {  	s8 =	sadd.s32 $0xFFFFE003, lr  }
0x1b: {  	s9 =	sadd.s32 $0xFFFFFEF7, lr;
	s5 =	simm.s32 $0xFFFFFFFF;
	p2 =	slt.u32 s8, $0xFFFFF086  }
0x1c: {  	p1 =	slt.u32 s9, $0xF7A;
	s5 =	simm.s32 @!p2 $0x0  }
0x1d: {  	s5 =	simm.s32 @p1 $0x1;
	p0 =	seq.s32 s7, s2  }
0x1e: {  	s7 =	smul.u32 @!p0 $0xF7A, s2;
	p2 =	seq.s32 @!p0 s5, $0x0  }
0x1f: {  	s9 =	smul.u32 $0xF7A, s1;
	s8 =	simm.s32 @!p0 $0x1BF5;
	p2 =	por !p2, p0  }
0x20: {  	[sflag:s8] =	ssyncset.s32 @!p0 $0xFFFFF086;
	s6 =	sadd.s32 @!p0 s3, s7;
	s7 =	simm.s32 @!p0 $0x108  }
0x21: {  	s3 =	sadd.s32 s3, s9;
	s6 =	sadd.s32 @!p0 $0x88, s6;
	s7 =	simm.s32 @p2 $0x1082  }
0x22: {  	[simem:s7], [sflag:s8] =	dma.local @!p0 [hbm:s6], $0xF7A  }
0x23: {  	s9 =	sor.u32 $0xD0000000, s2;
	s6 =	simm.s32 $0x108;
	_ =	swait.ge @!p0 [sflag:s8], $0x0  }
0x24: {  	s3 =	sadd.s32 $0x88, s3;
	s6 =	simm.s32 @!p1 $0x1082;
	[sflag:s4] =	ssyncset.s32 $0xFFFFF086  }
0x25: {  	[simem:s6], [sflag:s4] =	dma.local [hbm:s3], $0xF7A  }
0x26: {  	[smem:$0x3F9E] =	sst s1;
	(tag) =	ssettag s2;
	_ =	strace s9  }
0x27: {  	s1 =	sld [smem:$0x3FAE]  }
0x28: {  	s2 =	sld [smem:$0x3FAF]  }
0x29: {  	s4 =	sld [smem:$0x3FB1]  }
0x2a: {  	p0 =	seq.s32 s5, $0x0;
	s5 =	sld [smem:$0x3FB2]  }
0x2b: {  	s6 =	sld [smem:$0x3FB3]  }
0x2c: {  	s7 =	sld [smem:$0x3FB4]  }
0x2d: {  	s3 =	simm.s32 $0x108;
	s8 =	sld [smem:$0x3FB5]  }
0x2e: {  	s3 =	simm.s32 @!p0 $0x1082;
	s9 =	sld [smem:$0x3FB6]  }
0x2f: {  	lr =	sadd.s32 s0, s3;
	s0 =	sld [smem:$0x3FAD]  }
0x30: {  	s3 =	sld [smem:$0x3FB0]  }
0x31: {  	[smem:$0x3FB9] =	sst s10  }
0x32: {  	s10 =	sld [smem:$0x3FB7];
	_ =	sdelay $0x3  }
0x33: {  	p0 =	seq.s32 s10, $0x1;
	s10 =	sld [smem:$0x3FB9];
	_ =	sdelay $0x3  }
0x34: {  	[smem:$0x3FB9] =	sst s10  }
0x35: {  	s10 =	sld [smem:$0x3FB8];
	_ =	sdelay $0x3  }
0x36: {  	p1 =	seq.s32 s10, $0x1;
	s10 =	sld [smem:$0x3FB9];
	_ =	sdelay $0x3  }
0x37: {  	[smem:$0x3FB9] =	sst s10  }
0x38: {  	s10 =	sld [smem:$0x3FBA]  }
0x39: {  	_ = 	snop;
	(pc) =	sbr.ind lr, $3  }
0x3a: {  	_ = 	snop  }
0x3b: {  	_ = 	snop  }
0x3c: {  	p2 =	seq.s32 s10, $0x1;
	s10 =	sld [smem:$0x3FB9]  }
0x3d: {  	_ =	shalt  }
0x3e: {  	_ =	shalt  }
0x3f: {  	_ =	shalt  }
0x40: {  	_ =	shalt  }
0x41: {  	_ =	shalt  }
0x42: {  	_ =	shalt  }
0x43: {  	_ =	shalt  }
0x44: {  	_ =	shalt  }
0x45: {  	_ =	shalt  }
0x46: {  	_ =	shalt  }
0x47: {  	_ =	shalt  }
0x48: {  	_ =	shalt  }
0x49: {  	_ =	shalt  }
0x4a: {  	_ =	shalt  }
0x4b: {  	_ =	shalt  }
0x4c: {  	_ =	shalt  }
0x4d: {  	_ =	shalt  }
0x4e: {  	_ =	shalt  }
0x4f: {  	_ =	shalt  }
0x50: {  	_ =	shalt  }
0x51: {  	_ =	shalt  }
0x52: {  	_ =	shalt  }
0x53: {  	_ =	shalt  }
0x54: {  	_ =	shalt  }
0x55: {  	_ =	shalt  }
0x56: {  	_ =	shalt  }
0x57: {  	_ =	shalt  }
0x58: {  	_ =	shalt  }
0x59: {  	_ =	shalt  }
0x5a: {  	_ =	shalt  }
0x5b: {  	_ =	shalt  }
0x5c: {  	_ =	shalt  }
0x5d: {  	_ =	shalt  }
0x5e: {  	_ =	shalt  }
0x5f: {  	_ =	shalt  }
0x60: {  	_ =	shalt  }
0x61: {  	_ =	shalt  }
0x62: {  	_ =	shalt  }
0x63: {  	_ =	shalt  }
0x64: {  	_ =	shalt  }
0x65: {  	_ =	shalt  }
0x66: {  	_ =	shalt  }
0x67: {  	_ =	shalt  }
0x68: {  	_ =	shalt  }
0x69: {  	_ =	shalt  }
0x6a: {  	_ =	shalt  }
0x6b: {  	_ =	shalt  }
0x6c: {  	_ =	shalt  }
0x6d: {  	_ =	shalt  }
0x6e: {  	_ =	shalt  }
0x6f: {  	_ =	shalt  }
0x70: {  	_ =	shalt  }
0x71: {  	_ =	shalt  }
0x72: {  	_ =	shalt  }
0x73: {  	_ =	shalt  }
0x74: {  	_ =	shalt  }
0x75: {  	_ =	shalt  }
0x76: {  	_ =	shalt  }
0x77: {  	_ =	shalt  }
0x78: {  	_ =	shalt  }
0x79: {  	_ =	shalt  }
0x7a: {  	_ =	shalt  }
0x7b: {  	_ =	shalt  }
0x7c: {  	_ =	shalt  }
0x7d: {  	_ =	shalt  }
0x7e: {  	_ =	shalt  }
0x7f: {  	_ =	shalt  }
0x80: {  	_ =	shalt  }
0x81: {  	_ =	shalt  }
0x82: {  	_ =	shalt  }
0x83: {  	_ =	shalt  }
0x84: {  	_ =	shalt  }
0x85: {  	_ =	shalt  }
0x86: {  	_ =	shalt  }
0x87: {  	_ =	shalt  }
.Lfunc_end0:
.L_simem_size_0:
called_computation_lowered:
.L_overlay_start_0:
0x88: {  	s2 =	sld [smem:$0x3FD9]  }
0x89: {  	s3 =	sld [smem:$0x3FFE];
	_ =	sdelay $0x1  }
0x8a: {  	s1 =	srdreg.scid  }
0x8b: {  	s0 =	sand.u32 $0x1, s1  }
0x8c: {  	s17 =	sshll.u32 s0, $0xA;
	s2 =	sadd.s32 s3, s2  }
0x8d: {  	s2 =	sadd.s32 s2, s17  }
0x8e: {  	[smem:$0x3FC5] =	sst s2  }
0x8f: {  	_ = 	snop  }
0x90: {  	s2 =	sld [smem:$0x3FC8]  }
0x91: {  	s18 =	sld [smem:$0x3FC7]  }
0x92: {  	s4 =	sld [smem:$0x3FD0];
	(tm) =	ssettm $0x1  }
0x93: {  	s5 =	sld [smem:$0x3FFB];
	_ =	sdelay $0x3  }
0x94: {  	_ =	strace s5  }
0x95: {  	s5 =	sld [smem:$0x3FFC];
	_ =	sdelay $0x3  }
0x96: {  	_ =	strace s5  }
0x97: {  	s5 =	sld [smem:$0x3FFD];
	_ =	sdelay $0x3  }
0x98: {  	_ =	strace s5  }
0x99: {  	_ =	strace $0x8FFFFFFF  }
0x9a: {  	s19 =	sld [smem:$0x3FDB];
	_ =	sdelay $0x1  }
0x9b: {  	s6 =	simm.s32 $_scs_section_size  }
0x9c: {  	s7 =	simm.s32 $_size__tile_overlayer_lowered;
	s8 =	simm.s32 $_tile_overlayer_lowered  }
0x9d: {  	s22 =	simm.s32 $0x1BFF;
	s21 =	sshll.u32 s8, $0x1;
	s5 =	sadd.s32 s6, s19  }
0x9e: {  	s9 =	simm.s32 $0x0;
	s20 =	sshll.u32 s7, $0x1;
	s7 =	sadd.s32 s21, s5  }
0x9f: {  	[timem:s9], [sflag:s22] =	dma.local [hbm:s7], s20  }
0xa0: {  	_ =	swait.ge [sflag:s22], s20  }
0xa1: {  	s6 =	ssub.s32 $0x0, s20;
	[sflag:s22] =	ssyncset.done $0x0  }
0xa2: {  	[sflag:s22] =	ssyncadd.s32 s6;
	_ =	sdelay $0x1  }
0xa3: {  	s23 =	simm.s32 $0x1B8B  }
0xa4: {  	_ =	swait.ge [sflag:s23], $0x1  }
0xa5: {  	[sflag:s23] =	ssyncset.done $0x0  }
0xa6: {  	s25 =	simm.s32 $0x1B8E;
	s24 =	sld [smem:$0x3FFE];
	[sflag:s23] =	ssyncadd.s32 $0xFFFFFFFF  }
0xa7: {  	s26 =	simm.s32 $execute0_lowered;
	[smem:$0x3FD2] =	sst s25  }
0xa8: {  	s7 =	sshll.u32 s26, $0x1;
	_ =	strace $0x80000046;
	[dreg:$0x1] =	wrdreg $0xFFFFFFFF  }
0xa9: {  	s28 =	simm.s32 $_size_execute0_lowered;
	s5 =	sadd.s32 s5, s7;
	[dreg:$0x0] =	wrdreg $0x0  }
0xaa: {  	s7 =	sshll.u32 s28, $0x1;
	[dreg:$0x2] =	wrdreg s5  }
0xab: {  	[dreg:$0x3] =	wrdreg s7  }
0xac: {  	[dreg:$0x4] =	wrdreg $0xC0  }
0xad: {  	_ =	task [dreg:s9], $0x5FFFF  }
0xae: {  	[dreg:$0x1] =	wrdreg $0xFFFFFFFF  }
0xaf: {  	[dreg:$0x0] =	wrdreg $0x60  }
0xb0: {  	[dreg:$0x2] =	wrdreg s2  }
0xb1: {  	[dreg:$0x3] =	wrdreg s18  }
0xb2: {  	[dreg:$0x4] =	wrdreg s24  }
0xb3: {  	[dreg:$0x5] =	wrdreg s4  }
0xb4: {  	[dreg:$0x6] =	wrdreg $0x9  }
0xb5: {  	_ =	task.clear_ibuf [dreg:s9], $0x7FFFF;
	_ =	strace $0x90000046  }
0xb6: {  	s29 =	simm.s32 $0x9;
	_ =	strace $0x80000048  }
0xb7: {  	_ =	swait.ge [sflag:s29], $0x1  }
0xb8: {  	[sflag:s29] =	ssyncadd.s32 $0xFFFFFFFF  }
0xb9: {  	_ =	strace $0x90000048  }
0xba: {  	_ =	sfence  }
0xbb: {  	s30 =	sld [smem:$0x0];
	_ =	sdelay $0x2  }
0xbc: {  	s31 =	sshll.u32 s1, $0xD;
	s1 =	sshrl.u32 s1, $0x2  }
0xbd: {  	s3 =	sand.u32 $0x4000, s31;
	s1 =	sadd.s32 s1, s30  }
0xbe: {  	s0 =	sor.u32 s3, s0;
	s1 =	sshll.u32 s1, $0x11  }
0xbf: {  	s0 =	sor.u32 s1, s0  }
0xc0: {  	s0 =	sadd.s32 $0x8F2B, s0  }
0xc1: {  	[sflag:s0] =	ssyncadd.remote.s32 $0x1  }
0xc2: {  	_ =	sfence.sel $0xFFFF  }
0xc3: {  	[dreg:$0x0] =	wrdreg $0xFFFFFFFF;
	(pc) =	sbr.abs _section_cstart, $3  }
0xc4: {  	[dreg:$0x1] =	wrdreg $0xFFFFFFFF  }
0xc5: {  	_ =	task.clear_ibuf [dreg:s9], $0x2FFFF;
	_ =	strace $0x9FFFFFFF  }
0xc6: {  	(tm) =	ssettm $0x7FFFFFFF  }
0xc7: {  	_ =	shalt  }
tec
execute0_lowered:
.L_overlay_start_1:
0x0: {  	(tag) =	ssettag $0x1  }
0x1: {  	s1 =	rddreg [dreg:$0x0]  }
0x2: {  	s2 =	rddreg [dreg:$0x1];
	s3 =	srdreg.scid  }
0x3: {  	s0 =	stileid.u32;
	s6 =	rddreg [dreg:$0x2]  }
0x4: {  	s9 =	rddreg [dreg:$0x3];
	s4 =	simm.s32 $0x0;
	s15 =	simm.s32 $0x8100  }
0x5: {  	s16 =	simm.s32 $0x4100;
	s17 =	simm.s32 $0xC100;
	s10 =	smul.u32 $0x190000, s0  }
0x6: {  	s18 =	simm.s32 $0x1;
	s19 =	simm.s32 $0x3;
	s24 =	smul.u32 $0x3200, s0  }
0x7: {  	s8 =	sand.u32 $0x1, s3;
	s3 =	rddreg [dreg:$0x4];
	s26 =	smul.u32 $0x32000, s0  }
0x8: {  	s20 =	sshll.u32 s0, $0x1;
	[smem:$0x7FF] =	sst s4;
	s12 =	smul.u32 $0xC8000, s8  }
0x9: {  	s13 =	sadd.s32 $0x6C00, s6;
	s5 =	sor.u32 s8, s20;
	s14 =	smul.u32 $0x1900, s8  }
0xa: {  	_ =	strace $0x80000047;
	s11 =	ssub.s32 $0x2, s8;
	s29 =	smul.u32 $0x19000, s8  }
0xb: {  	s20 =	simm.s32 $0x2;
	s7 =	smul.u32 $0x1900, s5;
	s21 =	sshrl.u32 s11, $0x1  }
0xc: {  	s5 =	sadd.s32 $0x800, s6;
	s11 =	ssub.s32 s11, s21;
	s23 =	sadd.s32 s12, s10  }
0xd: {  	s28 =	sadd.s32 s14, s24;
	s12 =	simm.s32 $0x5;
	s14 =	simm.s32 $0x100  }
0xe: {  	s21 =	simm.s32 $0x4;
	s22 =	sshrl.u32 s7, $0x3;
	s10 =	sshrl.u32 s23, $0x3  }
0xf: {  	s7 =	smax.u32 s11, $0x1;
	s8 =	sadd.s32 $0x100, s28;
	s11 =	sadd.s32 s26, s13  }
0x10: {  	s30 =	sor.u32 $0x80, s28;
	s6 =	sadd.s32 s5, s22;
	s25 =	sadd.s32 s10, s13  }
0x11: {  	s10 =	sadd.s32 s10, s9;
	s9 =	sadd.s32 s26, s9;
	s11 =	sadd.s32 s29, s11  }
0x12: {  	s31 =	sshrl.u32 s30, $0x3;
	s13 =	simm.s32 $0x80;
	[dreg:$0x5] =	wrdreg s25  }
0x13: {  	s22 =	simm.s32 $0x0;
	[dreg:$0x6] =	wrdreg s10;
	s9 =	sadd.s32 s29, s9  }
0x14: {  	s10 =	sadd.s32 $0x800, s11;
	s11 =	sadd.s32 s31, s5;
	s9 =	sadd.s32 $0x800, s9  }
.LBB2_1:
0x15: {  	[tilespmem:s4], [sflag:$0x5] =	stream.linear.gather [hbm4b:s6+s4], $0x80, $0x38;
	[tilespmem:$0x10100] =	vst v63  }
0x16: {  	_ =	swait.ge [sflag:s12], $0x80  }
0x17: {  	[sflag:s12] =	ssyncset.done $0x0  }
0x18: {  	[sflag:s12] =	ssyncadd.s32 $0xFFFFFF80  }
0x19: {  	[tilespmem:s14], [sflag:$0x1] =	stream.indirect.gather [hbm4b:s1+s13], $0x80, s4, s13, $0xb8;
	[tilespmem:$0x10100] =	vst v63  }
0x1a: {  	_ = 	snop  }
0x1b: {  	[tilespmem:s15], [sflag:$0x3] =	stream.indirect.gather [hbm4b:s2+s13], $0x80, s4, s13, $0xb8;
	[tilespmem:$0x10100] =	vst v63  }
0x1c: {  	_ = 	snop  }
0x1d: {  	[tilespmem:s13], [sflag:$0x5] =	stream.linear.gather [hbm4b:s11+s4], $0x80, $0x38;
	[tilespmem:$0x10100] =	vst v63  }
0x1e: {  	_ =	swait.ge [sflag:s12], $0x80  }
0x1f: {  	[sflag:s12] =	ssyncset.done $0x0  }
0x20: {  	[sflag:s12] =	ssyncadd.s32 $0xFFFFFF80  }
0x21: {  	[tilespmem:s16], [sflag:$0x2] =	stream.indirect.gather [hbm4b:s1+s13], $0x80, s13, s13, $0xb8;
	[tilespmem:$0x10100] =	vst v63  }
0x22: {  	_ = 	snop  }
0x23: {  	[tilespmem:s17], [sflag:$0x4] =	stream.indirect.gather [hbm4b:s2+s13], $0x80, s13, s13, $0xb8;
	[tilespmem:$0x10100] =	vst v63  }
0x24: {  	_ =	swait.ge [sflag:s18], $0x4000  }
0x25: {  	[sflag:s18] =	ssyncset.done $0x0  }
0x26: {  	[sflag:s18] =	ssyncadd.s32 $0xFFFFC000  }
0x27: {  	_ =	swait.ge [sflag:s19], $0x4000  }
0x28: {  	s23 =	rddreg [dreg:$0x6];
	[sflag:s19] =	ssyncset.done $0x0  }
0x29: {  	[sflag:s19] =	ssyncadd.s32 $0xFFFFC000;
	s23 =	sadd.s32 $0x0, s23  }
0x2a: {  	[hbm4b:s23+s4] =	stream.linear.scatter [tilespmem:s14], [sflag:$0x5], $0x4000, $0x38;
	[tilespmem:$0x10100] =	vst v63  }
0x2b: {  	_ =	swait.ge [sflag:s12], $0x4000  }
0x2c: {  	s29 =	rddreg [dreg:$0x5];
	[sflag:s12] =	ssyncset.done $0x0  }
0x2d: {  	[sflag:s12] =	ssyncadd.s32 $0xFFFFC000;
	s23 =	sadd.s32 $0x0, s29  }
0x2e: {  	[hbm4b:s23+s4] =	stream.linear.scatter [tilespmem:s15], [sflag:$0x5], $0x4000, $0x38;
	[tilespmem:$0x10100] =	vst v63  }
0x2f: {  	p0 =	por $0x0, $0x0;
	_ =	swait.ge [sflag:s12], $0x4000  }
0x30: {  	s24 =	simm.s32 @!p0 $0x5;
	s23 =	sshrl.u32 @!p0 s8, $0x3;
	[sflag:s12] =	ssyncset.done $0x0  }
0x31: {  	s25 =	simm.s32 @!p0 $0x0;
	s23 =	sadd.s32 @!p0 s5, s23;
	[sflag:s12] =	ssyncadd.s32 $0xFFFFC000  }
0x32: {  	[tilespmem:s25], [sflag:$0x5] =	stream.linear.gather @!p0 [hbm4b:s23+s25], $0x80, $0x38;
	[tilespmem:$0x10100] =	vst v63  }
0x33: {  	_ =	swait.ge @!p0 [sflag:s24], $0x80  }
0x34: {  	[sflag:s24] =	ssyncset.done @!p0 $0x0  }
0x35: {  	s23 =	simm.s32 @!p0 $0x80;
	[sflag:s24] =	ssyncadd.s32 @!p0 $0xFFFFFF80;
	s24 =	simm.s32 @!p0 $0x100  }
0x36: {  	[tilespmem:s24], [sflag:$0x1] =	stream.indirect.gather @!p0 [hbm4b:s1+s23], $0x80, s25, s23, $0xb8;
	[tilespmem:$0x10100] =	vst v63  }
0x37: {  	s24 =	simm.s32 @!p0 $0x8100  }
0x38: {  	[tilespmem:s24], [sflag:$0x3] =	stream.indirect.gather @!p0 [hbm4b:s2+s23], $0x80, s25, s23, $0xb8;
	[tilespmem:$0x10100] =	vst v63  }
0x39: {  	_ =	swait.ge [sflag:s20], $0x4000  }
0x3a: {  	[sflag:s20] =	ssyncset.done $0x0  }
0x3b: {  	[sflag:s20] =	ssyncadd.s32 $0xFFFFC000  }
0x3c: {  	_ =	swait.ge [sflag:s21], $0x4000  }
0x3d: {  	[sflag:s21] =	ssyncset.done $0x0  }
0x3e: {  	s30 =	sadd.s32 $0x0, s9;
	[sflag:s21] =	ssyncadd.s32 $0xFFFFC000  }
0x3f: {  	[hbm4b:s30+s4] =	stream.linear.scatter [tilespmem:s16], [sflag:$0x5], $0x4000, $0x38;
	[tilespmem:$0x10100] =	vst v63  }
0x40: {  	_ =	swait.ge [sflag:s12], $0x4000  }
0x41: {  	[sflag:s12] =	ssyncset.done $0x0  }
0x42: {  	s31 =	sadd.s32 $0x0, s10;
	[sflag:s12] =	ssyncadd.s32 $0xFFFFC000  }
0x43: {  	[hbm4b:s31+s4] =	stream.linear.scatter [tilespmem:s17], [sflag:$0x5], $0x4000, $0x38;
	[tilespmem:$0x10100] =	vst v63  }
0x44: {  	s23 =	simm.s32 $0x1000;
	_ =	swait.ge [sflag:s12], $0x4000  }
0x45: {  	s24 =	sadd.s32 $0x20, s11;
	s25 =	smov.u32 s8;
	[sflag:s12] =	ssyncset.done $0x0  }
.LBB2_2:
0x46: {  	[sflag:s12] =	ssyncadd.s32 $0xFFFFC000  }
0x47: {  	[tilespmem:s13], [sflag:$0x5] =	stream.linear.gather [hbm4b:s24+s4], $0x80, $0x38;
	[tilespmem:$0x10100] =	vst v63  }
0x48: {  	_ =	swait.ge [sflag:s12], $0x80  }
0x49: {  	[sflag:s12] =	ssyncset.done $0x0  }
0x4a: {  	[sflag:s12] =	ssyncadd.s32 $0xFFFFFF80  }
0x4b: {  	[tilespmem:s16], [sflag:$0x2] =	stream.indirect.gather [hbm4b:s1+s13], $0x80, s13, s13, $0xb8;
	[tilespmem:$0x10100] =	vst v63  }
0x4c: {  	_ = 	snop  }
0x4d: {  	[tilespmem:s17], [sflag:$0x4] =	stream.indirect.gather [hbm4b:s2+s13], $0x80, s13, s13, $0xb8;
	[tilespmem:$0x10100] =	vst v63  }
0x4e: {  	_ =	swait.ge [sflag:s18], $0x4000  }
0x4f: {  	[sflag:s18] =	ssyncset.done $0x0  }
0x50: {  	[sflag:s18] =	ssyncadd.s32 $0xFFFFC000  }
0x51: {  	_ =	swait.ge [sflag:s19], $0x4000  }
0x52: {  	s26 =	smov.u32 s23;
	s28 =	rddreg [dreg:$0x6];
	[sflag:s19] =	ssyncset.done $0x0  }
0x53: {  	[sflag:s19] =	ssyncadd.s32 $0xFFFFC000;
	s28 =	sadd.s32 s26, s28  }
0x54: {  	[hbm4b:s28+s4] =	stream.linear.scatter [tilespmem:s14], [sflag:$0x5], $0x4000, $0x38;
	[tilespmem:$0x10100] =	vst v63  }
0x55: {  	_ =	swait.ge [sflag:s12], $0x4000  }
0x56: {  	s30 =	rddreg [dreg:$0x5];
	[sflag:s12] =	ssyncset.done $0x0  }
0x57: {  	[sflag:s12] =	ssyncadd.s32 $0xFFFFC000;
	s28 =	sadd.s32 s26, s30  }
0x58: {  	[hbm4b:s28+s4] =	stream.linear.scatter [tilespmem:s15], [sflag:$0x5], $0x4000, $0x38;
	[tilespmem:$0x10100] =	vst v63  }
0x59: {  	s25 =	sadd.s32 $0x100, s25;
	p1 =	seq.s32 s26, $0x18000;
	_ =	swait.ge [sflag:s12], $0x4000  }
0x5a: {  	s29 =	simm.s32 @!p1 $0x5;
	s28 =	sshrl.u32 @!p1 s25, $0x3;
	[sflag:s12] =	ssyncset.done $0x0  }
0x5b: {  	s30 =	simm.s32 @!p1 $0x0;
	s28 =	sadd.s32 @!p1 s5, s28;
	[sflag:s12] =	ssyncadd.s32 $0xFFFFC000  }
0x5c: {  	[tilespmem:s30], [sflag:$0x5] =	stream.linear.gather @!p1 [hbm4b:s28+s30], $0x80, $0x38;
	[tilespmem:$0x10100] =	vst v63  }
0x5d: {  	_ =	swait.ge @!p1 [sflag:s29], $0x80  }
0x5e: {  	[sflag:s29] =	ssyncset.done @!p1 $0x0  }
0x5f: {  	s28 =	simm.s32 @!p1 $0x80;
	[sflag:s29] =	ssyncadd.s32 @!p1 $0xFFFFFF80;
	s29 =	simm.s32 @!p1 $0x100  }
0x60: {  	[tilespmem:s29], [sflag:$0x1] =	stream.indirect.gather @!p1 [hbm4b:s1+s28], $0x80, s30, s28, $0xb8;
	[tilespmem:$0x10100] =	vst v63  }
0x61: {  	s29 =	simm.s32 @!p1 $0x8100  }
0x62: {  	[tilespmem:s29], [sflag:$0x3] =	stream.indirect.gather @!p1 [hbm4b:s2+s28], $0x80, s30, s28, $0xb8;
	[tilespmem:$0x10100] =	vst v63  }
0x63: {  	_ =	swait.ge [sflag:s20], $0x4000  }
0x64: {  	[sflag:s20] =	ssyncset.done $0x0  }
0x65: {  	[sflag:s20] =	ssyncadd.s32 $0xFFFFC000  }
0x66: {  	_ =	swait.ge [sflag:s21], $0x4000  }
0x67: {  	[sflag:s21] =	ssyncset.done $0x0  }
0x68: {  	s23 =	sadd.s32 $0x1000, s23;
	s31 =	sadd.s32 s26, s9;
	[sflag:s21] =	ssyncadd.s32 $0xFFFFC000  }
0x69: {  	[hbm4b:s31+s4] =	stream.linear.scatter [tilespmem:s16], [sflag:$0x5], $0x4000, $0x38;
	[tilespmem:$0x10100] =	vst v63  }
0x6a: {  	p0 =	sne.s32 s23, $0x19000;
	_ =	swait.ge [sflag:s12], $0x4000  }
.Ltmp0:
0x6b: {  	[sflag:s12] =	ssyncset.done $0x0;
	(pc) =	sbr.rel @p0 .LBB2_2-.Ltmp0, $4  }
0x6c: {  	s26 =	sadd.s32 s26, s10;
	[sflag:s12] =	ssyncadd.s32 $0xFFFFC000  }
0x6d: {  	[hbm4b:s26+s4] =	stream.linear.scatter [tilespmem:s17], [sflag:$0x5], $0x4000, $0x38;
	[tilespmem:$0x10100] =	vst v63  }
0x6e: {  	_ =	swait.ge [sflag:s12], $0x4000  }
0x6f: {  	s24 =	sadd.s32 $0x20, s24;
	[sflag:s12] =	ssyncset.done $0x0  }
0x70: {  	s22 =	sadd.s32 $0x1, s22  }
0x71: {  	p0 =	sne.s32 s22, s7  }
.Ltmp1:
0x72: {  	_ = 	snop;
	(pc) =	sbr.rel @p0 .LBB2_1-.Ltmp1, $2  }
0x73: {  	_ =	sdelay $0x2  }
0x74: {  	[sflag:s12] =	ssyncadd.s32 $0xFFFFC000  }
0x75: {  	_ =	sfence.sel $0x180000  }
0x76: {  	[bflag:$0x0] =	sbarrier.arrive $0xFFFF  }
0x77: {  	p0 =	sne.s32 s0, $0x0;
	_ =	strace $0x90000047  }
0x78: {  	s0 =	sadd.s32 @!p0 $0x100000, s3;
	[bflag:$0x2] =	sbarrier.arrive $0xFFFF  }
0x79: {  	[sflag:s0] =	ssyncadd.tile.s32 @!p0 $0x1;
	_ =	shalt  }
.Lfunc_end2:
_tile_overlayer_lowered:
.L_overlay_start_2:
0x7a: {  	(tag) =	ssettag $0x2  }
0x7b: {  	s0 =	rddreg [dreg:$0x0];
	s2 =	stileid.u32  }
0x7c: {  	s1 =	rddreg [dreg:$0x1];
	p0 =	sne.s32 s2, $0x0  }
0x7d: {  	s3 =	rddreg [dreg:$0x2];
	[bflag:$0x3] =	sbarrier.arrive $0xFFFF;
	s2 =	simm.s32 @!p0 $0x1C05  }
0x7e: {  	[timem:s3], [sflag:s2] =	dma.local @!p0 [hbm:s0], s1  }
0x7f: {  	s0 =	simm.s32 @!p0 $0x5  }
0x80: {  	_ =	swait.ge @!p0 [sflag:s0], s1  }
0x81: {  	s1 =	ssub.s32 @!p0 $0x0, s1;
	[sflag:s0] =	ssyncset.done @!p0 $0x0  }
0x82: {  	[sflag:s0] =	ssyncadd.s32 @!p0 s1  }
0x83: {  	[bflag:$0x3] =	sbarrier.arrive $0xFFFF  }
0x84: {  	_ =	shalt  }

</sc_bundles>
